<compile_context>
chip_gen: v7x
topology: tpu7x:2x2x1
jax: 0.10.2.dev20260603
libtpu: 0.0.44.dev20260713+nightly
codegen_flags: <defaults>
</compile_context>

<pallas_src>
import functools

import jax
import jax.numpy as jnp
import numpy as np
from jax import lax
from jax.experimental import pallas as pl

NB = 32
NS = 32
BLOCK_F = 64
GATHER_GC = 8

_U32 = np.uint32
_TINY = np.float32(1.1754944e-38)

_ROT_A = (13, 15, 26, 6)
_ROT_B = (17, 29, 16, 24)


def _rotl(x, d):
    return (x << _U32(d)) | (x >> _U32(32 - d))


def _tf_rounds(x0, x1, rots):
    for r in rots:
        x0 = x0 + x1
        x1 = _rotl(x1, r) ^ x0
    return x0, x1


def _threefry2x32_xor(j):
    ks0 = _U32(0)
    ks1 = _U32(42)
    ks2 = ks0 ^ ks1 ^ _U32(0x1BD11BDA)
    x0 = jnp.zeros_like(j) + ks0
    x1 = j + ks1
    x0, x1 = _tf_rounds(x0, x1, _ROT_A)
    x0 = x0 + ks1
    x1 = x1 + (ks2 + _U32(1))
    x0, x1 = _tf_rounds(x0, x1, _ROT_B)
    x0 = x0 + ks2
    x1 = x1 + (ks0 + _U32(2))
    x0, x1 = _tf_rounds(x0, x1, _ROT_A)
    x0 = x0 + ks0
    x1 = x1 + (ks1 + _U32(3))
    x0, x1 = _tf_rounds(x0, x1, _ROT_B)
    x0 = x0 + ks1
    x1 = x1 + (ks2 + _U32(4))
    x0, x1 = _tf_rounds(x0, x1, _ROT_A)
    x0 = x0 + ks2
    x1 = x1 + (ks0 + _U32(5))
    return x0 ^ x1


def _body(num_faces, F, GC, c_ref, idx_ref, gath_ref):
    m = pl.program_id(0)
    fb = pl.program_id(1)

    c = c_ref[0]

    def dist(a, b):
        return jnp.sqrt(
            (c[:, :, a] - c[:, :, b]) ** 2
            + (c[:, :, a + 1] - c[:, :, b + 1]) ** 2
            + (c[:, :, a + 2] - c[:, :, b + 2]) ** 2
        )

    perim = dist(0, 3) + dist(3, 6) + dist(6, 0)
    invp = 1.0 / (perim + np.float32(1e-9))
    invp_t = invp.T
    invp_cols = jnp.broadcast_to(invp_t[:, :, None], (NB, F, NS)).reshape(NB, F * NS)

    col = lax.broadcasted_iota(jnp.int32, (NB, F * NS), 1)
    row = lax.broadcasted_iota(jnp.int32, (NB, F * NS), 0)
    base = (m * num_faces + fb * F) * (NS * NB)
    j = (base + col * NB + row).astype(_U32)

    bits = _threefry2x32_xor(j)
    fl = lax.bitcast_convert_type((bits >> _U32(9)) | _U32(0x3F800000), jnp.float32)
    fl = fl - 1.0
    u = jnp.where(fl == 0.0, _TINY, fl)
    w = -jnp.log(u) * invp_cols

    minv = jnp.min(w, axis=0, keepdims=True)
    idx = jnp.min(jnp.where(w == minv, row, np.int32(NB - 1)), axis=0, keepdims=True)
    idx_ref[0, 0] = idx.astype(jnp.float32)

    cf = c.reshape(F * NB, 9)
    for fg in range(F // GC):
        gsl = idx[0:1, fg * GC * NS:(fg + 1) * GC * NS]
        rcol = lax.broadcasted_iota(jnp.int32, (GC * NB, GC * NS), 1)
        g = gsl + (rcol & np.int32(~(NB - 1)))
        oht = (g == lax.broadcasted_iota(jnp.int32, (GC * NB, GC * NS), 0))
        oht = oht.astype(jnp.float32)
        src = cf[fg * GC * NB:(fg + 1) * GC * NB]
        res = lax.dot_general(oht, src, (((0,), (0,)), ((), ())),
                              precision=lax.Precision.HIGHEST,
                              preferred_element_type=jnp.float32)
        gath_ref[0, fg * GC * NS:(fg + 1) * GC * NS] = res


def kernel(ring_n, neighbor_corners):
    num_meshes, num_faces, nb = ring_n.shape
    c9 = neighbor_corners.reshape(num_meshes, num_faces, nb, 9)
    f = min(BLOCK_F, num_faces)
    gc = min(GATHER_GC, f)

    grid = (num_meshes, num_faces // f)
    idxf, gath = pl.pallas_call(
        functools.partial(_body, num_faces, f, gc),
        grid=grid,
        in_specs=[
            pl.BlockSpec((1, f, nb, 9), lambda m, i: (m, i, 0, 0)),
        ],
        out_specs=[
            pl.BlockSpec((1, 1, 1, f * NS), lambda m, i: (m, i, 0, 0)),
            pl.BlockSpec((1, f * NS, 9), lambda m, i: (m, i, 0)),
        ],
        out_shape=[
            jax.ShapeDtypeStruct((num_meshes, num_faces // f, 1, f * NS),
                                 jnp.float32),
            jax.ShapeDtypeStruct((num_meshes, num_faces * NS, 9), jnp.float32),
        ],
    )(c9)

    idxf = idxf.reshape(num_meshes, num_faces, NS)
    gath = gath.reshape(num_meshes, num_faces, NS, 9)
    rs_ring_n = jnp.concatenate([idxf, ring_n], axis=2)
    rs_nc = jnp.concatenate([gath, c9], axis=2)
    rs_nc = rs_nc.reshape(num_meshes, num_faces, 2 * NS, 3, 3)
    return (rs_ring_n, rs_nc)

# --- scband reference (transcript-rebuilt; emitter-appended) ---
"""Pipeline reference for scband-neighbor-resample-weighted-79757542686882 (READ-ONLY COPY).

The authoritative reference and input builder live on the scoring server;
editing this copy changes nothing except your own understanding.
"""

import jax, jax.numpy as jnp
import numpy as np

NUM_SAMPLES = 64


def setup_inputs(seed: int = 0) -> dict:
    key = jax.random.key(seed)
    k1, k2 = jax.random.split(key)
    ring_n = jax.random.uniform(k1, (4, 8192, 32), dtype=jnp.float32)
    neighbor_corners = jax.random.normal(k2, (4, 8192, 32, 3, 3), dtype=jnp.float32)
    return {"ring_n": ring_n, "neighbor_corners": neighbor_corners}


def _dist(a, b):
    return jnp.sqrt(
        (a[:, :, :, 0] - b[:, :, :, 0]) ** 2
        + (a[:, :, :, 1] - b[:, :, :, 1]) ** 2
        + (a[:, :, :, 2] - b[:, :, :, 2]) ** 2
    )


def reference(ring_n, neighbor_corners):
    num_meshes, num_faces, num_neighbor = ring_n.shape
    num_samples = NUM_SAMPLES - num_neighbor
    c1 = neighbor_corners[:, :, :, 0, :]
    c2 = neighbor_corners[:, :, :, 1, :]
    c3 = neighbor_corners[:, :, :, 2, :]
    perimeter = _dist(c1, c2) + _dist(c2, c3) + _dist(c3, c1)
    # multinomial with replacement, proportional to perimeter
    logits = jnp.log(perimeter + 1e-9)
    skey = jax.random.key(42)
    rs_idx = jax.random.categorical(
        skey,
        jnp.broadcast_to(
            logits[:, :, None, :], (num_meshes, num_faces, num_samples, num_neighbor)
        ),
        axis=-1,
    )
    rs_ring_n = rs_idx.astype(jnp.float32)
    gidx = jnp.broadcast_to(
        rs_idx[:, :, :, None, None], (num_meshes, num_faces, num_samples, 3, 3)
    )
    rs_neighbor_corners = jnp.take_along_axis(neighbor_corners, gidx, axis=2)
    rs_ring_n = jnp.concatenate([rs_ring_n, ring_n], axis=2)
    rs_neighbor_corners = jnp.concatenate([rs_neighbor_corners, neighbor_corners], axis=2)
    return (rs_ring_n, rs_neighbor_corners)

if __name__ == "__main__":
    import jax
    _d = setup_inputs()
    print(jax.jit(kernel)(*tuple(_d.values())))

</pallas_src>

<mosaic_0001>
module attributes {stable_mosaic.version = 14 : i64} {
  func.func @_body(%arg0: i32, %arg1: i32, %arg2: memref<1x64x32x9xf32, #tpu.memory_space<vmem>>, %arg3: memref<1x1x1x2048xf32, #tpu.memory_space<vmem>>, %arg4: memref<1x2048x9xf32, #tpu.memory_space<vmem>>) attributes {dimension_semantics = [#tpu.dimension_semantics<arbitrary>, #tpu.dimension_semantics<arbitrary>], iteration_bounds = array<i64: 4, 128>, scalar_prefetch = 0 : i64, scratch_operands = 0 : i64, tpu.core_type = #tpu.core_type<tc>, window_params = [{transform_indices = @transform_0, window_bounds = array<i64: 1, 64, 32, 9>}, {transform_indices = @transform_1, window_bounds = array<i64: 1, 1, 1, 2048>}, {transform_indices = @transform_2, window_bounds = array<i64: 1, 2048, 9>}]} {
    %get3A = arith.constant 0 : index
    %get3A_0 = arith.constant 0 : index
    %get3A_1 = arith.constant 0 : index
    %get3A_2 = arith.constant 0 : index
    %get3A_3 = vector.load %arg2[%get3A, %get3A_0, %get3A_1, %get3A_2] : memref<1x64x32x9xf32, #tpu.memory_space<vmem>>, vector<1x64x32x9xf32>
    %get3A_4 = vector.shape_cast %get3A_3 : vector<1x64x32x9xf32> to vector<64x32x9xf32>
    %slice3A = vector.extract_strided_slice %get3A_4 {offsets = [0, 0, 0], sizes = [64, 32, 1], strides = [1, 1, 1]} : vector<64x32x9xf32> to vector<64x32x1xf32>
    %squeeze3A = vector.shape_cast %slice3A : vector<64x32x1xf32> to vector<64x32xf32>
    %slice3A_5 = vector.extract_strided_slice %get3A_4 {offsets = [0, 0, 3], sizes = [64, 32, 1], strides = [1, 1, 1]} : vector<64x32x9xf32> to vector<64x32x1xf32>
    %squeeze3A_6 = vector.shape_cast %slice3A_5 : vector<64x32x1xf32> to vector<64x32xf32>
    %sub3A = arith.subf %squeeze3A, %squeeze3A_6 : vector<64x32xf32>
    %integer_pow3A = arith.mulf %sub3A, %sub3A : vector<64x32xf32>
    %slice3A_7 = vector.extract_strided_slice %get3A_4 {offsets = [0, 0, 1], sizes = [64, 32, 1], strides = [1, 1, 1]} : vector<64x32x9xf32> to vector<64x32x1xf32>
    %squeeze3A_8 = vector.shape_cast %slice3A_7 : vector<64x32x1xf32> to vector<64x32xf32>
    %slice3A_9 = vector.extract_strided_slice %get3A_4 {offsets = [0, 0, 4], sizes = [64, 32, 1], strides = [1, 1, 1]} : vector<64x32x9xf32> to vector<64x32x1xf32>
    %squeeze3A_10 = vector.shape_cast %slice3A_9 : vector<64x32x1xf32> to vector<64x32xf32>
    %sub3A_11 = arith.subf %squeeze3A_8, %squeeze3A_10 : vector<64x32xf32>
    %integer_pow3A_12 = arith.mulf %sub3A_11, %sub3A_11 : vector<64x32xf32>
    %add3A = arith.addf %integer_pow3A, %integer_pow3A_12 : vector<64x32xf32>
    %slice3A_13 = vector.extract_strided_slice %get3A_4 {offsets = [0, 0, 2], sizes = [64, 32, 1], strides = [1, 1, 1]} : vector<64x32x9xf32> to vector<64x32x1xf32>
    %squeeze3A_14 = vector.shape_cast %slice3A_13 : vector<64x32x1xf32> to vector<64x32xf32>
    %slice3A_15 = vector.extract_strided_slice %get3A_4 {offsets = [0, 0, 5], sizes = [64, 32, 1], strides = [1, 1, 1]} : vector<64x32x9xf32> to vector<64x32x1xf32>
    %squeeze3A_16 = vector.shape_cast %slice3A_15 : vector<64x32x1xf32> to vector<64x32xf32>
    %sub3A_17 = arith.subf %squeeze3A_14, %squeeze3A_16 : vector<64x32xf32>
    %integer_pow3A_18 = arith.mulf %sub3A_17, %sub3A_17 : vector<64x32xf32>
    %add3A_19 = arith.addf %add3A, %integer_pow3A_18 : vector<64x32xf32>
    %sqrt3A = math.sqrt %add3A_19 : vector<64x32xf32>
    %slice3A_20 = vector.extract_strided_slice %get3A_4 {offsets = [0, 0, 3], sizes = [64, 32, 1], strides = [1, 1, 1]} : vector<64x32x9xf32> to vector<64x32x1xf32>
    %squeeze3A_21 = vector.shape_cast %slice3A_20 : vector<64x32x1xf32> to vector<64x32xf32>
    %slice3A_22 = vector.extract_strided_slice %get3A_4 {offsets = [0, 0, 6], sizes = [64, 32, 1], strides = [1, 1, 1]} : vector<64x32x9xf32> to vector<64x32x1xf32>
    %squeeze3A_23 = vector.shape_cast %slice3A_22 : vector<64x32x1xf32> to vector<64x32xf32>
    %sub3A_24 = arith.subf %squeeze3A_21, %squeeze3A_23 : vector<64x32xf32>
    %integer_pow3A_25 = arith.mulf %sub3A_24, %sub3A_24 : vector<64x32xf32>
    %slice3A_26 = vector.extract_strided_slice %get3A_4 {offsets = [0, 0, 4], sizes = [64, 32, 1], strides = [1, 1, 1]} : vector<64x32x9xf32> to vector<64x32x1xf32>
    %squeeze3A_27 = vector.shape_cast %slice3A_26 : vector<64x32x1xf32> to vector<64x32xf32>
    %slice3A_28 = vector.extract_strided_slice %get3A_4 {offsets = [0, 0, 7], sizes = [64, 32, 1], strides = [1, 1, 1]} : vector<64x32x9xf32> to vector<64x32x1xf32>
    %squeeze3A_29 = vector.shape_cast %slice3A_28 : vector<64x32x1xf32> to vector<64x32xf32>
    %sub3A_30 = arith.subf %squeeze3A_27, %squeeze3A_29 : vector<64x32xf32>
    %integer_pow3A_31 = arith.mulf %sub3A_30, %sub3A_30 : vector<64x32xf32>
    %add3A_32 = arith.addf %integer_pow3A_25, %integer_pow3A_31 : vector<64x32xf32>
    %slice3A_33 = vector.extract_strided_slice %get3A_4 {offsets = [0, 0, 5], sizes = [64, 32, 1], strides = [1, 1, 1]} : vector<64x32x9xf32> to vector<64x32x1xf32>
    %squeeze3A_34 = vector.shape_cast %slice3A_33 : vector<64x32x1xf32> to vector<64x32xf32>
    %slice3A_35 = vector.extract_strided_slice %get3A_4 {offsets = [0, 0, 8], sizes = [64, 32, 1], strides = [1, 1, 1]} : vector<64x32x9xf32> to vector<64x32x1xf32>
    %squeeze3A_36 = vector.shape_cast %slice3A_35 : vector<64x32x1xf32> to vector<64x32xf32>
    %sub3A_37 = arith.subf %squeeze3A_34, %squeeze3A_36 : vector<64x32xf32>
    %integer_pow3A_38 = arith.mulf %sub3A_37, %sub3A_37 : vector<64x32xf32>
    %add3A_39 = arith.addf %add3A_32, %integer_pow3A_38 : vector<64x32xf32>
    %sqrt3A_40 = math.sqrt %add3A_39 : vector<64x32xf32>
    %add3A_41 = arith.addf %sqrt3A, %sqrt3A_40 : vector<64x32xf32>
    %slice3A_42 = vector.extract_strided_slice %get3A_4 {offsets = [0, 0, 6], sizes = [64, 32, 1], strides = [1, 1, 1]} : vector<64x32x9xf32> to vector<64x32x1xf32>
    %squeeze3A_43 = vector.shape_cast %slice3A_42 : vector<64x32x1xf32> to vector<64x32xf32>
    %slice3A_44 = vector.extract_strided_slice %get3A_4 {offsets = [0, 0, 0], sizes = [64, 32, 1], strides = [1, 1, 1]} : vector<64x32x9xf32> to vector<64x32x1xf32>
    %squeeze3A_45 = vector.shape_cast %slice3A_44 : vector<64x32x1xf32> to vector<64x32xf32>
    %sub3A_46 = arith.subf %squeeze3A_43, %squeeze3A_45 : vector<64x32xf32>
    %integer_pow3A_47 = arith.mulf %sub3A_46, %sub3A_46 : vector<64x32xf32>
    %slice3A_48 = vector.extract_strided_slice %get3A_4 {offsets = [0, 0, 7], sizes = [64, 32, 1], strides = [1, 1, 1]} : vector<64x32x9xf32> to vector<64x32x1xf32>
    %squeeze3A_49 = vector.shape_cast %slice3A_48 : vector<64x32x1xf32> to vector<64x32xf32>
    %slice3A_50 = vector.extract_strided_slice %get3A_4 {offsets = [0, 0, 1], sizes = [64, 32, 1], strides = [1, 1, 1]} : vector<64x32x9xf32> to vector<64x32x1xf32>
    %squeeze3A_51 = vector.shape_cast %slice3A_50 : vector<64x32x1xf32> to vector<64x32xf32>
    %sub3A_52 = arith.subf %squeeze3A_49, %squeeze3A_51 : vector<64x32xf32>
    %integer_pow3A_53 = arith.mulf %sub3A_52, %sub3A_52 : vector<64x32xf32>
    %add3A_54 = arith.addf %integer_pow3A_47, %integer_pow3A_53 : vector<64x32xf32>
    %slice3A_55 = vector.extract_strided_slice %get3A_4 {offsets = [0, 0, 8], sizes = [64, 32, 1], strides = [1, 1, 1]} : vector<64x32x9xf32> to vector<64x32x1xf32>
    %squeeze3A_56 = vector.shape_cast %slice3A_55 : vector<64x32x1xf32> to vector<64x32xf32>
    %slice3A_57 = vector.extract_strided_slice %get3A_4 {offsets = [0, 0, 2], sizes = [64, 32, 1], strides = [1, 1, 1]} : vector<64x32x9xf32> to vector<64x32x1xf32>
    %squeeze3A_58 = vector.shape_cast %slice3A_57 : vector<64x32x1xf32> to vector<64x32xf32>
    %sub3A_59 = arith.subf %squeeze3A_56, %squeeze3A_58 : vector<64x32xf32>
    %integer_pow3A_60 = arith.mulf %sub3A_59, %sub3A_59 : vector<64x32xf32>
    %add3A_61 = arith.addf %add3A_54, %integer_pow3A_60 : vector<64x32xf32>
    %sqrt3A_62 = math.sqrt %add3A_61 : vector<64x32xf32>
    %add3A_63 = arith.addf %add3A_41, %sqrt3A_62 : vector<64x32xf32>
    %add3A_64 = arith.constant 9.99999971E-10 : f32
    %add3A_65 = vector.broadcast %add3A_64 : f32 to vector<64x32xf32>
    %add3A_66 = arith.addf %add3A_63, %add3A_65 : vector<64x32xf32>
    %div3A = arith.constant 1.000000e+00 : f32
    %div3A_67 = vector.broadcast %div3A : f32 to vector<64x32xf32>
    %div3A_68 = arith.divf %div3A_67, %add3A_66 : vector<64x32xf32>
    %transpose3A = tpu.transpose %div3A_68, [1, 0] : vector<64x32xf32> -> vector<32x64xf32>
    %broadcast_in_dim3A = vector.shape_cast %transpose3A : vector<32x64xf32> to vector<32x64x1xf32>
    %broadcast_in_dim3A_69 = vector.shape_cast %broadcast_in_dim3A : vector<32x64x1xf32> to vector<32x64x1xf32>
    %broadcast_in_dim3A_70 = vector.broadcast %broadcast_in_dim3A_69 : vector<32x64x1xf32> to vector<32x64x32xf32>
    %reshape3A = vector.shape_cast %broadcast_in_dim3A_70 : vector<32x64x32xf32> to vector<32x2048xf32>
    %iota3A = tpu.iota {dimensions = array<i32: 1>} : vector<32x2048xi32>
    %iota3A_71 = tpu.iota {dimensions = array<i32: 0>} : vector<32x2048xi32>
    %mul3A = arith.constant 8192 : i32
    %mul3A_72 = arith.muli %arg0, %mul3A : i32
    %mul3A_73 = arith.constant 64 : i32
    %mul3A_74 = arith.muli %arg1, %mul3A_73 : i32
    %add3A_75 = arith.addi %mul3A_72, %mul3A_74 : i32
    %mul3A_76 = arith.constant 1024 : i32
    %mul3A_77 = arith.muli %add3A_75, %mul3A_76 : i32
    %mul3A_78 = arith.constant 32 : i32
    %mul3A_79 = vector.broadcast %mul3A_78 : i32 to vector<32x2048xi32>
    %mul3A_80 = arith.muli %iota3A, %mul3A_79 : vector<32x2048xi32>
    %add3A_81 = vector.broadcast %mul3A_77 : i32 to vector<32x2048xi32>
    %add3A_82 = arith.addi %add3A_81, %mul3A_80 : vector<32x2048xi32>
    %add3A_83 = arith.addi %add3A_82, %iota3A_71 : vector<32x2048xi32>
    %broadcast_in_dim3A_84 = arith.constant 0 : i32
    %broadcast_in_dim3A_85 = vector.broadcast %broadcast_in_dim3A_84 : i32 to vector<32x2048xi32>
    %add3A_86 = arith.constant 0 : i32
    %add3A_87 = vector.broadcast %add3A_86 : i32 to vector<32x2048xi32>
    %add3A_88 = arith.addi %broadcast_in_dim3A_85, %add3A_87 : vector<32x2048xi32>
    %add3A_89 = arith.constant 42 : i32
    %add3A_90 = vector.broadcast %add3A_89 : i32 to vector<32x2048xi32>
    %add3A_91 = arith.addi %add3A_83, %add3A_90 : vector<32x2048xi32>
    %add3A_92 = arith.addi %add3A_88, %add3A_91 : vector<32x2048xi32>
    %shift_left3A = arith.constant 13 : i32
    %shift_left3A_93 = vector.broadcast %shift_left3A : i32 to vector<32x2048xi32>
    %shift_left3A_94 = arith.shli %add3A_91, %shift_left3A_93 : vector<32x2048xi32>
    %shift_right_logical3A = arith.constant 19 : i32
    %shift_right_logical3A_95 = vector.broadcast %shift_right_logical3A : i32 to vector<32x2048xi32>
    %shift_right_logical3A_96 = arith.shrui %add3A_91, %shift_right_logical3A_95 : vector<32x2048xi32>
    %or3A = arith.ori %shift_left3A_94, %shift_right_logical3A_96 : vector<32x2048xi32>
    %xor3A = arith.xori %or3A, %add3A_92 : vector<32x2048xi32>
    %add3A_97 = arith.addi %add3A_92, %xor3A : vector<32x2048xi32>
    %shift_left3A_98 = arith.constant 15 : i32
    %shift_left3A_99 = vector.broadcast %shift_left3A_98 : i32 to vector<32x2048xi32>
    %shift_left3A_100 = arith.shli %xor3A, %shift_left3A_99 : vector<32x2048xi32>
    %shift_right_logical3A_101 = arith.constant 17 : i32
    %shift_right_logical3A_102 = vector.broadcast %shift_right_logical3A_101 : i32 to vector<32x2048xi32>
    %shift_right_logical3A_103 = arith.shrui %xor3A, %shift_right_logical3A_102 : vector<32x2048xi32>
    %or3A_104 = arith.ori %shift_left3A_100, %shift_right_logical3A_103 : vector<32x2048xi32>
    %xor3A_105 = arith.xori %or3A_104, %add3A_97 : vector<32x2048xi32>
    %add3A_106 = arith.addi %add3A_97, %xor3A_105 : vector<32x2048xi32>
    %shift_left3A_107 = arith.constant 26 : i32
    %shift_left3A_108 = vector.broadcast %shift_left3A_107 : i32 to vector<32x2048xi32>
    %shift_left3A_109 = arith.shli %xor3A_105, %shift_left3A_108 : vector<32x2048xi32>
    %shift_right_logical3A_110 = arith.constant 6 : i32
    %shift_right_logical3A_111 = vector.broadcast %shift_right_logical3A_110 : i32 to vector<32x2048xi32>
    %shift_right_logical3A_112 = arith.shrui %xor3A_105, %shift_right_logical3A_111 : vector<32x2048xi32>
    %or3A_113 = arith.ori %shift_left3A_109, %shift_right_logical3A_112 : vector<32x2048xi32>
    %xor3A_114 = arith.xori %or3A_113, %add3A_106 : vector<32x2048xi32>
    %add3A_115 = arith.addi %add3A_106, %xor3A_114 : vector<32x2048xi32>
    %shift_left3A_116 = arith.constant 6 : i32
    %shift_left3A_117 = vector.broadcast %shift_left3A_116 : i32 to vector<32x2048xi32>
    %shift_left3A_118 = arith.shli %xor3A_114, %shift_left3A_117 : vector<32x2048xi32>
    %shift_right_logical3A_119 = arith.constant 26 : i32
    %shift_right_logical3A_120 = vector.broadcast %shift_right_logical3A_119 : i32 to vector<32x2048xi32>
    %shift_right_logical3A_121 = arith.shrui %xor3A_114, %shift_right_logical3A_120 : vector<32x2048xi32>
    %or3A_122 = arith.ori %shift_left3A_118, %shift_right_logical3A_121 : vector<32x2048xi32>
    %xor3A_123 = arith.xori %or3A_122, %add3A_115 : vector<32x2048xi32>
    %add3A_124 = arith.constant 42 : i32
    %add3A_125 = vector.broadcast %add3A_124 : i32 to vector<32x2048xi32>
    %add3A_126 = arith.addi %add3A_115, %add3A_125 : vector<32x2048xi32>
    %add3A_127 = arith.constant 466689009 : i32
    %add3A_128 = vector.broadcast %add3A_127 : i32 to vector<32x2048xi32>
    %add3A_129 = arith.addi %xor3A_123, %add3A_128 : vector<32x2048xi32>
    %add3A_130 = arith.addi %add3A_126, %add3A_129 : vector<32x2048xi32>
    %shift_left3A_131 = arith.constant 17 : i32
    %shift_left3A_132 = vector.broadcast %shift_left3A_131 : i32 to vector<32x2048xi32>
    %shift_left3A_133 = arith.shli %add3A_129, %shift_left3A_132 : vector<32x2048xi32>
    %shift_right_logical3A_134 = arith.constant 15 : i32
    %shift_right_logical3A_135 = vector.broadcast %shift_right_logical3A_134 : i32 to vector<32x2048xi32>
    %shift_right_logical3A_136 = arith.shrui %add3A_129, %shift_right_logical3A_135 : vector<32x2048xi32>
    %or3A_137 = arith.ori %shift_left3A_133, %shift_right_logical3A_136 : vector<32x2048xi32>
    %xor3A_138 = arith.xori %or3A_137, %add3A_130 : vector<32x2048xi32>
    %add3A_139 = arith.addi %add3A_130, %xor3A_138 : vector<32x2048xi32>
    %shift_left3A_140 = arith.constant 29 : i32
    %shift_left3A_141 = vector.broadcast %shift_left3A_140 : i32 to vector<32x2048xi32>
    %shift_left3A_142 = arith.shli %xor3A_138, %shift_left3A_141 : vector<32x2048xi32>
    %shift_right_logical3A_143 = arith.constant 3 : i32
    %shift_right_logical3A_144 = vector.broadcast %shift_right_logical3A_143 : i32 to vector<32x2048xi32>
    %shift_right_logical3A_145 = arith.shrui %xor3A_138, %shift_right_logical3A_144 : vector<32x2048xi32>
    %or3A_146 = arith.ori %shift_left3A_142, %shift_right_logical3A_145 : vector<32x2048xi32>
    %xor3A_147 = arith.xori %or3A_146, %add3A_139 : vector<32x2048xi32>
    %add3A_148 = arith.addi %add3A_139, %xor3A_147 : vector<32x2048xi32>
    %shift_left3A_149 = arith.constant 16 : i32
    %shift_left3A_150 = vector.broadcast %shift_left3A_149 : i32 to vector<32x2048xi32>
    %shift_left3A_151 = arith.shli %xor3A_147, %shift_left3A_150 : vector<32x2048xi32>
    %shift_right_logical3A_152 = arith.constant 16 : i32
    %shift_right_logical3A_153 = vector.broadcast %shift_right_logical3A_152 : i32 to vector<32x2048xi32>
    %shift_right_logical3A_154 = arith.shrui %xor3A_147, %shift_right_logical3A_153 : vector<32x2048xi32>
    %or3A_155 = arith.ori %shift_left3A_151, %shift_right_logical3A_154 : vector<32x2048xi32>
    %xor3A_156 = arith.xori %or3A_155, %add3A_148 : vector<32x2048xi32>
    %add3A_157 = arith.addi %add3A_148, %xor3A_156 : vector<32x2048xi32>
    %shift_left3A_158 = arith.constant 24 : i32
    %shift_left3A_159 = vector.broadcast %shift_left3A_158 : i32 to vector<32x2048xi32>
    %shift_left3A_160 = arith.shli %xor3A_156, %shift_left3A_159 : vector<32x2048xi32>
    %shift_right_logical3A_161 = arith.constant 8 : i32
    %shift_right_logical3A_162 = vector.broadcast %shift_right_logical3A_161 : i32 to vector<32x2048xi32>
    %shift_right_logical3A_163 = arith.shrui %xor3A_156, %shift_right_logical3A_162 : vector<32x2048xi32>
    %or3A_164 = arith.ori %shift_left3A_160, %shift_right_logical3A_163 : vector<32x2048xi32>
    %xor3A_165 = arith.xori %or3A_164, %add3A_157 : vector<32x2048xi32>
    %add3A_166 = arith.constant 466689008 : i32
    %add3A_167 = vector.broadcast %add3A_166 : i32 to vector<32x2048xi32>
    %add3A_168 = arith.addi %add3A_157, %add3A_167 : vector<32x2048xi32>
    %add3A_169 = arith.constant 2 : i32
    %add3A_170 = vector.broadcast %add3A_169 : i32 to vector<32x2048xi32>
    %add3A_171 = arith.addi %xor3A_165, %add3A_170 : vector<32x2048xi32>
    %add3A_172 = arith.addi %add3A_168, %add3A_171 : vector<32x2048xi32>
    %shift_left3A_173 = arith.constant 13 : i32
    %shift_left3A_174 = vector.broadcast %shift_left3A_173 : i32 to vector<32x2048xi32>
    %shift_left3A_175 = arith.shli %add3A_171, %shift_left3A_174 : vector<32x2048xi32>
    %shift_right_logical3A_176 = arith.constant 19 : i32
    %shift_right_logical3A_177 = vector.broadcast %shift_right_logical3A_176 : i32 to vector<32x2048xi32>
    %shift_right_logical3A_178 = arith.shrui %add3A_171, %shift_right_logical3A_177 : vector<32x2048xi32>
    %or3A_179 = arith.ori %shift_left3A_175, %shift_right_logical3A_178 : vector<32x2048xi32>
    %xor3A_180 = arith.xori %or3A_179, %add3A_172 : vector<32x2048xi32>
    %add3A_181 = arith.addi %add3A_172, %xor3A_180 : vector<32x2048xi32>
    %shift_left3A_182 = arith.constant 15 : i32
    %shift_left3A_183 = vector.broadcast %shift_left3A_182 : i32 to vector<32x2048xi32>
    %shift_left3A_184 = arith.shli %xor3A_180, %shift_left3A_183 : vector<32x2048xi32>
    %shift_right_logical3A_185 = arith.constant 17 : i32
    %shift_right_logical3A_186 = vector.broadcast %shift_right_logical3A_185 : i32 to vector<32x2048xi32>
    %shift_right_logical3A_187 = arith.shrui %xor3A_180, %shift_right_logical3A_186 : vector<32x2048xi32>
    %or3A_188 = arith.ori %shift_left3A_184, %shift_right_logical3A_187 : vector<32x2048xi32>
    %xor3A_189 = arith.xori %or3A_188, %add3A_181 : vector<32x2048xi32>
    %add3A_190 = arith.addi %add3A_181, %xor3A_189 : vector<32x2048xi32>
    %shift_left3A_191 = arith.constant 26 : i32
    %shift_left3A_192 = vector.broadcast %shift_left3A_191 : i32 to vector<32x2048xi32>
    %shift_left3A_193 = arith.shli %xor3A_189, %shift_left3A_192 : vector<32x2048xi32>
    %shift_right_logical3A_194 = arith.constant 6 : i32
    %shift_right_logical3A_195 = vector.broadcast %shift_right_logical3A_194 : i32 to vector<32x2048xi32>
    %shift_right_logical3A_196 = arith.shrui %xor3A_189, %shift_right_logical3A_195 : vector<32x2048xi32>
    %or3A_197 = arith.ori %shift_left3A_193, %shift_right_logical3A_196 : vector<32x2048xi32>
    %xor3A_198 = arith.xori %or3A_197, %add3A_190 : vector<32x2048xi32>
    %add3A_199 = arith.addi %add3A_190, %xor3A_198 : vector<32x2048xi32>
    %shift_left3A_200 = arith.constant 6 : i32
    %shift_left3A_201 = vector.broadcast %shift_left3A_200 : i32 to vector<32x2048xi32>
    %shift_left3A_202 = arith.shli %xor3A_198, %shift_left3A_201 : vector<32x2048xi32>
    %shift_right_logical3A_203 = arith.constant 26 : i32
    %shift_right_logical3A_204 = vector.broadcast %shift_right_logical3A_203 : i32 to vector<32x2048xi32>
    %shift_right_logical3A_205 = arith.shrui %xor3A_198, %shift_right_logical3A_204 : vector<32x2048xi32>
    %or3A_206 = arith.ori %shift_left3A_202, %shift_right_logical3A_205 : vector<32x2048xi32>
    %xor3A_207 = arith.xori %or3A_206, %add3A_199 : vector<32x2048xi32>
    %add3A_208 = arith.constant 0 : i32
    %add3A_209 = vector.broadcast %add3A_208 : i32 to vector<32x2048xi32>
    %add3A_210 = arith.addi %add3A_199, %add3A_209 : vector<32x2048xi32>
    %add3A_211 = arith.constant 45 : i32
    %add3A_212 = vector.broadcast %add3A_211 : i32 to vector<32x2048xi32>
    %add3A_213 = arith.addi %xor3A_207, %add3A_212 : vector<32x2048xi32>
    %add3A_214 = arith.addi %add3A_210, %add3A_213 : vector<32x2048xi32>
    %shift_left3A_215 = arith.constant 17 : i32
    %shift_left3A_216 = vector.broadcast %shift_left3A_215 : i32 to vector<32x2048xi32>
    %shift_left3A_217 = arith.shli %add3A_213, %shift_left3A_216 : vector<32x2048xi32>
    %shift_right_logical3A_218 = arith.constant 15 : i32
    %shift_right_logical3A_219 = vector.broadcast %shift_right_logical3A_218 : i32 to vector<32x2048xi32>
    %shift_right_logical3A_220 = arith.shrui %add3A_213, %shift_right_logical3A_219 : vector<32x2048xi32>
    %or3A_221 = arith.ori %shift_left3A_217, %shift_right_logical3A_220 : vector<32x2048xi32>
    %xor3A_222 = arith.xori %or3A_221, %add3A_214 : vector<32x2048xi32>
    %add3A_223 = arith.addi %add3A_214, %xor3A_222 : vector<32x2048xi32>
    %shift_left3A_224 = arith.constant 29 : i32
    %shift_left3A_225 = vector.broadcast %shift_left3A_224 : i32 to vector<32x2048xi32>
    %shift_left3A_226 = arith.shli %xor3A_222, %shift_left3A_225 : vector<32x2048xi32>
    %shift_right_logical3A_227 = arith.constant 3 : i32
    %shift_right_logical3A_228 = vector.broadcast %shift_right_logical3A_227 : i32 to vector<32x2048xi32>
    %shift_right_logical3A_229 = arith.shrui %xor3A_222, %shift_right_logical3A_228 : vector<32x2048xi32>
    %or3A_230 = arith.ori %shift_left3A_226, %shift_right_logical3A_229 : vector<32x2048xi32>
    %xor3A_231 = arith.xori %or3A_230, %add3A_223 : vector<32x2048xi32>
    %add3A_232 = arith.addi %add3A_223, %xor3A_231 : vector<32x2048xi32>
    %shift_left3A_233 = arith.constant 16 : i32
    %shift_left3A_234 = vector.broadcast %shift_left3A_233 : i32 to vector<32x2048xi32>
    %shift_left3A_235 = arith.shli %xor3A_231, %shift_left3A_234 : vector<32x2048xi32>
    %shift_right_logical3A_236 = arith.constant 16 : i32
    %shift_right_logical3A_237 = vector.broadcast %shift_right_logical3A_236 : i32 to vector<32x2048xi32>
    %shift_right_logical3A_238 = arith.shrui %xor3A_231, %shift_right_logical3A_237 : vector<32x2048xi32>
    %or3A_239 = arith.ori %shift_left3A_235, %shift_right_logical3A_238 : vector<32x2048xi32>
    %xor3A_240 = arith.xori %or3A_239, %add3A_232 : vector<32x2048xi32>
    %add3A_241 = arith.addi %add3A_232, %xor3A_240 : vector<32x2048xi32>
    %shift_left3A_242 = arith.constant 24 : i32
    %shift_left3A_243 = vector.broadcast %shift_left3A_242 : i32 to vector<32x2048xi32>
    %shift_left3A_244 = arith.shli %xor3A_240, %shift_left3A_243 : vector<32x2048xi32>
    %shift_right_logical3A_245 = arith.constant 8 : i32
    %shift_right_logical3A_246 = vector.broadcast %shift_right_logical3A_245 : i32 to vector<32x2048xi32>
    %shift_right_logical3A_247 = arith.shrui %xor3A_240, %shift_right_logical3A_246 : vector<32x2048xi32>
    %or3A_248 = arith.ori %shift_left3A_244, %shift_right_logical3A_247 : vector<32x2048xi32>
    %xor3A_249 = arith.xori %or3A_248, %add3A_241 : vector<32x2048xi32>
    %add3A_250 = arith.constant 42 : i32
    %add3A_251 = vector.broadcast %add3A_250 : i32 to vector<32x2048xi32>
    %add3A_252 = arith.addi %add3A_241, %add3A_251 : vector<32x2048xi32>
    %add3A_253 = arith.constant 466689012 : i32
    %add3A_254 = vector.broadcast %add3A_253 : i32 to vector<32x2048xi32>
    %add3A_255 = arith.addi %xor3A_249, %add3A_254 : vector<32x2048xi32>
    %add3A_256 = arith.addi %add3A_252, %add3A_255 : vector<32x2048xi32>
    %shift_left3A_257 = arith.constant 13 : i32
    %shift_left3A_258 = vector.broadcast %shift_left3A_257 : i32 to vector<32x2048xi32>
    %shift_left3A_259 = arith.shli %add3A_255, %shift_left3A_258 : vector<32x2048xi32>
    %shift_right_logical3A_260 = arith.constant 19 : i32
    %shift_right_logical3A_261 = vector.broadcast %shift_right_logical3A_260 : i32 to vector<32x2048xi32>
    %shift_right_logical3A_262 = arith.shrui %add3A_255, %shift_right_logical3A_261 : vector<32x2048xi32>
    %or3A_263 = arith.ori %shift_left3A_259, %shift_right_logical3A_262 : vector<32x2048xi32>
    %xor3A_264 = arith.xori %or3A_263, %add3A_256 : vector<32x2048xi32>
    %add3A_265 = arith.addi %add3A_256, %xor3A_264 : vector<32x2048xi32>
    %shift_left3A_266 = arith.constant 15 : i32
    %shift_left3A_267 = vector.broadcast %shift_left3A_266 : i32 to vector<32x2048xi32>
    %shift_left3A_268 = arith.shli %xor3A_264, %shift_left3A_267 : vector<32x2048xi32>
    %shift_right_logical3A_269 = arith.constant 17 : i32
    %shift_right_logical3A_270 = vector.broadcast %shift_right_logical3A_269 : i32 to vector<32x2048xi32>
    %shift_right_logical3A_271 = arith.shrui %xor3A_264, %shift_right_logical3A_270 : vector<32x2048xi32>
    %or3A_272 = arith.ori %shift_left3A_268, %shift_right_logical3A_271 : vector<32x2048xi32>
    %xor3A_273 = arith.xori %or3A_272, %add3A_265 : vector<32x2048xi32>
    %add3A_274 = arith.addi %add3A_265, %xor3A_273 : vector<32x2048xi32>
    %shift_left3A_275 = arith.constant 26 : i32
    %shift_left3A_276 = vector.broadcast %shift_left3A_275 : i32 to vector<32x2048xi32>
    %shift_left3A_277 = arith.shli %xor3A_273, %shift_left3A_276 : vector<32x2048xi32>
    %shift_right_logical3A_278 = arith.constant 6 : i32
    %shift_right_logical3A_279 = vector.broadcast %shift_right_logical3A_278 : i32 to vector<32x2048xi32>
    %shift_right_logical3A_280 = arith.shrui %xor3A_273, %shift_right_logical3A_279 : vector<32x2048xi32>
    %or3A_281 = arith.ori %shift_left3A_277, %shift_right_logical3A_280 : vector<32x2048xi32>
    %xor3A_282 = arith.xori %or3A_281, %add3A_274 : vector<32x2048xi32>
    %add3A_283 = arith.addi %add3A_274, %xor3A_282 : vector<32x2048xi32>
    %shift_left3A_284 = arith.constant 6 : i32
    %shift_left3A_285 = vector.broadcast %shift_left3A_284 : i32 to vector<32x2048xi32>
    %shift_left3A_286 = arith.shli %xor3A_282, %shift_left3A_285 : vector<32x2048xi32>
    %shift_right_logical3A_287 = arith.constant 26 : i32
    %shift_right_logical3A_288 = vector.broadcast %shift_right_logical3A_287 : i32 to vector<32x2048xi32>
    %shift_right_logical3A_289 = arith.shrui %xor3A_282, %shift_right_logical3A_288 : vector<32x2048xi32>
    %or3A_290 = arith.ori %shift_left3A_286, %shift_right_logical3A_289 : vector<32x2048xi32>
    %xor3A_291 = arith.xori %or3A_290, %add3A_283 : vector<32x2048xi32>
    %add3A_292 = arith.constant 466689008 : i32
    %add3A_293 = vector.broadcast %add3A_292 : i32 to vector<32x2048xi32>
    %add3A_294 = arith.addi %add3A_283, %add3A_293 : vector<32x2048xi32>
    %add3A_295 = arith.constant 5 : i32
    %add3A_296 = vector.broadcast %add3A_295 : i32 to vector<32x2048xi32>
    %add3A_297 = arith.addi %xor3A_291, %add3A_296 : vector<32x2048xi32>
    %xor3A_298 = arith.xori %add3A_294, %add3A_297 : vector<32x2048xi32>
    %shift_right_logical3A_299 = arith.constant 9 : i32
    %shift_right_logical3A_300 = vector.broadcast %shift_right_logical3A_299 : i32 to vector<32x2048xi32>
    %shift_right_logical3A_301 = arith.shrui %xor3A_298, %shift_right_logical3A_300 : vector<32x2048xi32>
    %or3A_302 = arith.constant 1065353216 : i32
    %or3A_303 = vector.broadcast %or3A_302 : i32 to vector<32x2048xi32>
    %or3A_304 = arith.ori %shift_right_logical3A_301, %or3A_303 : vector<32x2048xi32>
    %bitcast_convert_type3A = tpu.bitcast %or3A_304 : vector<32x2048xi32> -> vector<32x2048xf32>
    %sub3A_305 = arith.constant 1.000000e+00 : f32
    %sub3A_306 = vector.broadcast %sub3A_305 : f32 to vector<32x2048xf32>
    %sub3A_307 = arith.subf %bitcast_convert_type3A, %sub3A_306 : vector<32x2048xf32>
    %eq3A = arith.constant 0.000000e+00 : f32
    %eq3A_308 = vector.broadcast %eq3A : f32 to vector<32x2048xf32>
    %eq3A_309 = arith.cmpf oeq, %sub3A_307, %eq3A_308 : vector<32x2048xf32>
    %jit3A = arith.constant 1.17549435E-38 : f32
    %broadcast_in_dim3A_310 = vector.broadcast %jit3A : f32 to vector<32x2048xf32>
    %select_n3A = arith.select %eq3A_309, %broadcast_in_dim3A_310, %sub3A_307 : vector<32x2048xi1>, vector<32x2048xf32>
    %log3A = math.log %select_n3A : vector<32x2048xf32>
    %neg3A = arith.constant 0.000000e+00 : f32
    %neg3A_311 = vector.broadcast %neg3A : f32 to vector<32x2048xf32>
    %neg3A_312 = arith.subf %neg3A_311, %log3A : vector<32x2048xf32>
    %mul3A_313 = arith.mulf %neg3A_312, %reshape3A : vector<32x2048xf32>
    %reduce_min3A = arith.constant dense<0x7F800000> : vector<2048xf32>
    %reduce_min3A_314 = vector.multi_reduction <minimumf>, %mul3A_313, %reduce_min3A [0] : vector<32x2048xf32> to vector<2048xf32>
    %broadcast_in_dim3A_315 = vector.shape_cast %reduce_min3A_314 : vector<2048xf32> to vector<1x2048xf32>
    %eq3A_316 = vector.broadcast %broadcast_in_dim3A_315 : vector<1x2048xf32> to vector<32x2048xf32>
    %eq3A_317 = arith.cmpf oeq, %mul3A_313, %eq3A_316 : vector<32x2048xf32>
    %jit3A_318 = arith.constant 31 : i32
    %broadcast_in_dim3A_319 = vector.broadcast %jit3A_318 : i32 to vector<32x2048xi32>
    %select_n3A_320 = arith.select %eq3A_317, %iota3A_71, %broadcast_in_dim3A_319 : vector<32x2048xi1>, vector<32x2048xi32>
    %reduce_min3A_321 = arith.constant dense<2147483647> : vector<2048xi32>
    %reduce_min3A_322 = vector.multi_reduction <minsi>, %select_n3A_320, %reduce_min3A_321 [0] : vector<32x2048xi32> to vector<2048xi32>
    %broadcast_in_dim3A_323 = vector.shape_cast %reduce_min3A_322 : vector<2048xi32> to vector<1x2048xi32>
    %convert_element_type3A = arith.sitofp %broadcast_in_dim3A_323 : vector<1x2048xi32> to vector<1x2048xf32>
    %swap3A = arith.constant 0 : index
    %swap3A_324 = arith.constant 0 : index
    %swap3A_325 = arith.constant 0 : index
    %swap3A_326 = arith.constant 0 : index
    %swap3A_327 = vector.load %arg3[%swap3A, %swap3A_324, %swap3A_325, %swap3A_326] : memref<1x1x1x2048xf32, #tpu.memory_space<vmem>>, vector<1x1x1x2048xf32>
    %swap3A_328 = vector.shape_cast %swap3A_327 : vector<1x1x1x2048xf32> to vector<1x2048xf32>
    %swap3A_329 = vector.shape_cast %convert_element_type3A : vector<1x2048xf32> to vector<1x1x1x2048xf32>
    tpu.vector_store %arg3[%swap3A, %swap3A_324, %swap3A_325, %swap3A_326], %swap3A_329 {strides = array<i32>} : memref<1x1x1x2048xf32, #tpu.memory_space<vmem>>, vector<1x1x1x2048xf32>,
    %reshape3A_330 = vector.shape_cast %get3A_4 : vector<64x32x9xf32> to vector<2048x9xf32>
    %slice3A_331 = vector.extract_strided_slice %broadcast_in_dim3A_323 {offsets = [0, 0], sizes = [1, 256], strides = [1, 1]} : vector<1x2048xi32> to vector<1x256xi32>
    %iota3A_332 = tpu.iota {dimensions = array<i32: 1>} : vector<256x256xi32>
    %and3A = arith.constant -32 : i32
    %and3A_333 = vector.broadcast %and3A : i32 to vector<256x256xi32>
    %and3A_334 = arith.andi %iota3A_332, %and3A_333 : vector<256x256xi32>
    %add3A_335 = vector.broadcast %slice3A_331 : vector<1x256xi32> to vector<256x256xi32>
    %add3A_336 = arith.addi %add3A_335, %and3A_334 : vector<256x256xi32>
    %iota3A_337 = tpu.iota {dimensions = array<i32: 0>} : vector<256x256xi32>
    %eq3A_338 = arith.cmpi eq, %add3A_336, %iota3A_337 : vector<256x256xi32>
    %convert_element_type3A_339 = arith.extui %eq3A_338 : vector<256x256xi1> to vector<256x256xi32>
    %convert_element_type3A_340 = arith.sitofp %convert_element_type3A_339 : vector<256x256xi32> to vector<256x256xf32>
    %slice3A_341 = vector.extract_strided_slice %reshape3A_330 {offsets = [0, 0], sizes = [256, 9], strides = [1, 1]} : vector<2048x9xf32> to vector<256x9xf32>
    %dot_general3A = arith.constant dense<0.000000e+00> : vector<256x9xf32>
    %dot_general3A_342 = tpu.matmul %convert_element_type3A_340, %slice3A_341, %dot_general3A {dimension_numbers = #tpu.dot_dimension_numbers<[0], [0], [1], [1], [0, 1, 1, 1], [], []>, precision = #tpu.contract_precision<fp32>, transpose_lhs_hint = false} : vector<256x256xf32>, vector<256x9xf32>, vector<256x9xf32> -> vector<256x9xf32>
    %swap3A_343 = arith.constant 0 : index
    %swap3A_344 = arith.constant 0 : index
    %swap3A_345 = arith.constant 0 : index
    %swap3A_346 = vector.load %arg4[%swap3A_343, %swap3A_344, %swap3A_345] : memref<1x2048x9xf32, #tpu.memory_space<vmem>>, vector<1x256x9xf32>
    %swap3A_347 = vector.shape_cast %swap3A_346 : vector<1x256x9xf32> to vector<256x9xf32>
    %swap3A_348 = vector.shape_cast %dot_general3A_342 : vector<256x9xf32> to vector<1x256x9xf32>
    tpu.vector_store %arg4[%swap3A_343, %swap3A_344, %swap3A_345], %swap3A_348 {strides = array<i32>} : memref<1x2048x9xf32, #tpu.memory_space<vmem>>, vector<1x256x9xf32>,
    %slice3A_349 = vector.extract_strided_slice %broadcast_in_dim3A_323 {offsets = [0, 256], sizes = [1, 256], strides = [1, 1]} : vector<1x2048xi32> to vector<1x256xi32>
    %iota3A_350 = tpu.iota {dimensions = array<i32: 1>} : vector<256x256xi32>
    %and3A_351 = arith.constant -32 : i32
    %and3A_352 = vector.broadcast %and3A_351 : i32 to vector<256x256xi32>
    %and3A_353 = arith.andi %iota3A_350, %and3A_352 : vector<256x256xi32>
    %add3A_354 = vector.broadcast %slice3A_349 : vector<1x256xi32> to vector<256x256xi32>
    %add3A_355 = arith.addi %add3A_354, %and3A_353 : vector<256x256xi32>
    %iota3A_356 = tpu.iota {dimensions = array<i32: 0>} : vector<256x256xi32>
    %eq3A_357 = arith.cmpi eq, %add3A_355, %iota3A_356 : vector<256x256xi32>
    %convert_element_type3A_358 = arith.extui %eq3A_357 : vector<256x256xi1> to vector<256x256xi32>
    %convert_element_type3A_359 = arith.sitofp %convert_element_type3A_358 : vector<256x256xi32> to vector<256x256xf32>
    %slice3A_360 = vector.extract_strided_slice %reshape3A_330 {offsets = [256, 0], sizes = [256, 9], strides = [1, 1]} : vector<2048x9xf32> to vector<256x9xf32>
    %dot_general3A_361 = arith.constant dense<0.000000e+00> : vector<256x9xf32>
    %dot_general3A_362 = tpu.matmul %convert_element_type3A_359, %slice3A_360, %dot_general3A_361 {dimension_numbers = #tpu.dot_dimension_numbers<[0], [0], [1], [1], [0, 1, 1, 1], [], []>, precision = #tpu.contract_precision<fp32>, transpose_lhs_hint = false} : vector<256x256xf32>, vector<256x9xf32>, vector<256x9xf32> -> vector<256x9xf32>
    %swap3A_363 = arith.constant 0 : index
    %swap3A_364 = arith.constant 256 : index
    %swap3A_365 = arith.constant 0 : index
    %swap3A_366 = vector.load %arg4[%swap3A_363, %swap3A_364, %swap3A_365] : memref<1x2048x9xf32, #tpu.memory_space<vmem>>, vector<1x256x9xf32>
    %swap3A_367 = vector.shape_cast %swap3A_366 : vector<1x256x9xf32> to vector<256x9xf32>
    %swap3A_368 = vector.shape_cast %dot_general3A_362 : vector<256x9xf32> to vector<1x256x9xf32>
    tpu.vector_store %arg4[%swap3A_363, %swap3A_364, %swap3A_365], %swap3A_368 {strides = array<i32>} : memref<1x2048x9xf32, #tpu.memory_space<vmem>>, vector<1x256x9xf32>,
    %slice3A_369 = vector.extract_strided_slice %broadcast_in_dim3A_323 {offsets = [0, 512], sizes = [1, 256], strides = [1, 1]} : vector<1x2048xi32> to vector<1x256xi32>
    %iota3A_370 = tpu.iota {dimensions = array<i32: 1>} : vector<256x256xi32>
    %and3A_371 = arith.constant -32 : i32
    %and3A_372 = vector.broadcast %and3A_371 : i32 to vector<256x256xi32>
    %and3A_373 = arith.andi %iota3A_370, %and3A_372 : vector<256x256xi32>
    %add3A_374 = vector.broadcast %slice3A_369 : vector<1x256xi32> to vector<256x256xi32>
    %add3A_375 = arith.addi %add3A_374, %and3A_373 : vector<256x256xi32>
    %iota3A_376 = tpu.iota {dimensions = array<i32: 0>} : vector<256x256xi32>
    %eq3A_377 = arith.cmpi eq, %add3A_375, %iota3A_376 : vector<256x256xi32>
    %convert_element_type3A_378 = arith.extui %eq3A_377 : vector<256x256xi1> to vector<256x256xi32>
    %convert_element_type3A_379 = arith.sitofp %convert_element_type3A_378 : vector<256x256xi32> to vector<256x256xf32>
    %slice3A_380 = vector.extract_strided_slice %reshape3A_330 {offsets = [512, 0], sizes = [256, 9], strides = [1, 1]} : vector<2048x9xf32> to vector<256x9xf32>
    %dot_general3A_381 = arith.constant dense<0.000000e+00> : vector<256x9xf32>
    %dot_general3A_382 = tpu.matmul %convert_element_type3A_379, %slice3A_380, %dot_general3A_381 {dimension_numbers = #tpu.dot_dimension_numbers<[0], [0], [1], [1], [0, 1, 1, 1], [], []>, precision = #tpu.contract_precision<fp32>, transpose_lhs_hint = false} : vector<256x256xf32>, vector<256x9xf32>, vector<256x9xf32> -> vector<256x9xf32>
    %swap3A_383 = arith.constant 0 : index
    %swap3A_384 = arith.constant 512 : index
    %swap3A_385 = arith.constant 0 : index
    %swap3A_386 = vector.load %arg4[%swap3A_383, %swap3A_384, %swap3A_385] : memref<1x2048x9xf32, #tpu.memory_space<vmem>>, vector<1x256x9xf32>
    %swap3A_387 = vector.shape_cast %swap3A_386 : vector<1x256x9xf32> to vector<256x9xf32>
    %swap3A_388 = vector.shape_cast %dot_general3A_382 : vector<256x9xf32> to vector<1x256x9xf32>
    tpu.vector_store %arg4[%swap3A_383, %swap3A_384, %swap3A_385], %swap3A_388 {strides = array<i32>} : memref<1x2048x9xf32, #tpu.memory_space<vmem>>, vector<1x256x9xf32>,
    %slice3A_389 = vector.extract_strided_slice %broadcast_in_dim3A_323 {offsets = [0, 768], sizes = [1, 256], strides = [1, 1]} : vector<1x2048xi32> to vector<1x256xi32>
    %iota3A_390 = tpu.iota {dimensions = array<i32: 1>} : vector<256x256xi32>
    %and3A_391 = arith.constant -32 : i32
    %and3A_392 = vector.broadcast %and3A_391 : i32 to vector<256x256xi32>
    %and3A_393 = arith.andi %iota3A_390, %and3A_392 : vector<256x256xi32>
    %add3A_394 = vector.broadcast %slice3A_389 : vector<1x256xi32> to vector<256x256xi32>
    %add3A_395 = arith.addi %add3A_394, %and3A_393 : vector<256x256xi32>
    %iota3A_396 = tpu.iota {dimensions = array<i32: 0>} : vector<256x256xi32>
    %eq3A_397 = arith.cmpi eq, %add3A_395, %iota3A_396 : vector<256x256xi32>
    %convert_element_type3A_398 = arith.extui %eq3A_397 : vector<256x256xi1> to vector<256x256xi32>
    %convert_element_type3A_399 = arith.sitofp %convert_element_type3A_398 : vector<256x256xi32> to vector<256x256xf32>
    %slice3A_400 = vector.extract_strided_slice %reshape3A_330 {offsets = [768, 0], sizes = [256, 9], strides = [1, 1]} : vector<2048x9xf32> to vector<256x9xf32>
    %dot_general3A_401 = arith.constant dense<0.000000e+00> : vector<256x9xf32>
    %dot_general3A_402 = tpu.matmul %convert_element_type3A_399, %slice3A_400, %dot_general3A_401 {dimension_numbers = #tpu.dot_dimension_numbers<[0], [0], [1], [1], [0, 1, 1, 1], [], []>, precision = #tpu.contract_precision<fp32>, transpose_lhs_hint = false} : vector<256x256xf32>, vector<256x9xf32>, vector<256x9xf32> -> vector<256x9xf32>
    %swap3A_403 = arith.constant 0 : index
    %swap3A_404 = arith.constant 768 : index
    %swap3A_405 = arith.constant 0 : index
    %swap3A_406 = vector.load %arg4[%swap3A_403, %swap3A_404, %swap3A_405] : memref<1x2048x9xf32, #tpu.memory_space<vmem>>, vector<1x256x9xf32>
    %swap3A_407 = vector.shape_cast %swap3A_406 : vector<1x256x9xf32> to vector<256x9xf32>
    %swap3A_408 = vector.shape_cast %dot_general3A_402 : vector<256x9xf32> to vector<1x256x9xf32>
    tpu.vector_store %arg4[%swap3A_403, %swap3A_404, %swap3A_405], %swap3A_408 {strides = array<i32>} : memref<1x2048x9xf32, #tpu.memory_space<vmem>>, vector<1x256x9xf32>,
    %slice3A_409 = vector.extract_strided_slice %broadcast_in_dim3A_323 {offsets = [0, 1024], sizes = [1, 256], strides = [1, 1]} : vector<1x2048xi32> to vector<1x256xi32>
    %iota3A_410 = tpu.iota {dimensions = array<i32: 1>} : vector<256x256xi32>
    %and3A_411 = arith.constant -32 : i32
    %and3A_412 = vector.broadcast %and3A_411 : i32 to vector<256x256xi32>
    %and3A_413 = arith.andi %iota3A_410, %and3A_412 : vector<256x256xi32>
    %add3A_414 = vector.broadcast %slice3A_409 : vector<1x256xi32> to vector<256x256xi32>
    %add3A_415 = arith.addi %add3A_414, %and3A_413 : vector<256x256xi32>
    %iota3A_416 = tpu.iota {dimensions = array<i32: 0>} : vector<256x256xi32>
    %eq3A_417 = arith.cmpi eq, %add3A_415, %iota3A_416 : vector<256x256xi32>
    %convert_element_type3A_418 = arith.extui %eq3A_417 : vector<256x256xi1> to vector<256x256xi32>
    %convert_element_type3A_419 = arith.sitofp %convert_element_type3A_418 : vector<256x256xi32> to vector<256x256xf32>
    %slice3A_420 = vector.extract_strided_slice %reshape3A_330 {offsets = [1024, 0], sizes = [256, 9], strides = [1, 1]} : vector<2048x9xf32> to vector<256x9xf32>
    %dot_general3A_421 = arith.constant dense<0.000000e+00> : vector<256x9xf32>
    %dot_general3A_422 = tpu.matmul %convert_element_type3A_419, %slice3A_420, %dot_general3A_421 {dimension_numbers = #tpu.dot_dimension_numbers<[0], [0], [1], [1], [0, 1, 1, 1], [], []>, precision = #tpu.contract_precision<fp32>, transpose_lhs_hint = false} : vector<256x256xf32>, vector<256x9xf32>, vector<256x9xf32> -> vector<256x9xf32>
    %swap3A_423 = arith.constant 0 : index
    %swap3A_424 = arith.constant 1024 : index
    %swap3A_425 = arith.constant 0 : index
    %swap3A_426 = vector.load %arg4[%swap3A_423, %swap3A_424, %swap3A_425] : memref<1x2048x9xf32, #tpu.memory_space<vmem>>, vector<1x256x9xf32>
    %swap3A_427 = vector.shape_cast %swap3A_426 : vector<1x256x9xf32> to vector<256x9xf32>
    %swap3A_428 = vector.shape_cast %dot_general3A_422 : vector<256x9xf32> to vector<1x256x9xf32>
    tpu.vector_store %arg4[%swap3A_423, %swap3A_424, %swap3A_425], %swap3A_428 {strides = array<i32>} : memref<1x2048x9xf32, #tpu.memory_space<vmem>>, vector<1x256x9xf32>,
    %slice3A_429 = vector.extract_strided_slice %broadcast_in_dim3A_323 {offsets = [0, 1280], sizes = [1, 256], strides = [1, 1]} : vector<1x2048xi32> to vector<1x256xi32>
    %iota3A_430 = tpu.iota {dimensions = array<i32: 1>} : vector<256x256xi32>
    %and3A_431 = arith.constant -32 : i32
    %and3A_432 = vector.broadcast %and3A_431 : i32 to vector<256x256xi32>
    %and3A_433 = arith.andi %iota3A_430, %and3A_432 : vector<256x256xi32>
    %add3A_434 = vector.broadcast %slice3A_429 : vector<1x256xi32> to vector<256x256xi32>
    %add3A_435 = arith.addi %add3A_434, %and3A_433 : vector<256x256xi32>
    %iota3A_436 = tpu.iota {dimensions = array<i32: 0>} : vector<256x256xi32>
    %eq3A_437 = arith.cmpi eq, %add3A_435, %iota3A_436 : vector<256x256xi32>
    %convert_element_type3A_438 = arith.extui %eq3A_437 : vector<256x256xi1> to vector<256x256xi32>
    %convert_element_type3A_439 = arith.sitofp %convert_element_type3A_438 : vector<256x256xi32> to vector<256x256xf32>
    %slice3A_440 = vector.extract_strided_slice %reshape3A_330 {offsets = [1280, 0], sizes = [256, 9], strides = [1, 1]} : vector<2048x9xf32> to vector<256x9xf32>
    %dot_general3A_441 = arith.constant dense<0.000000e+00> : vector<256x9xf32>
    %dot_general3A_442 = tpu.matmul %convert_element_type3A_439, %slice3A_440, %dot_general3A_441 {dimension_numbers = #tpu.dot_dimension_numbers<[0], [0], [1], [1], [0, 1, 1, 1], [], []>, precision = #tpu.contract_precision<fp32>, transpose_lhs_hint = false} : vector<256x256xf32>, vector<256x9xf32>, vector<256x9xf32> -> vector<256x9xf32>
    %swap3A_443 = arith.constant 0 : index
    %swap3A_444 = arith.constant 1280 : index
    %swap3A_445 = arith.constant 0 : index
    %swap3A_446 = vector.load %arg4[%swap3A_443, %swap3A_444, %swap3A_445] : memref<1x2048x9xf32, #tpu.memory_space<vmem>>, vector<1x256x9xf32>
    %swap3A_447 = vector.shape_cast %swap3A_446 : vector<1x256x9xf32> to vector<256x9xf32>
    %swap3A_448 = vector.shape_cast %dot_general3A_442 : vector<256x9xf32> to vector<1x256x9xf32>
    tpu.vector_store %arg4[%swap3A_443, %swap3A_444, %swap3A_445], %swap3A_448 {strides = array<i32>} : memref<1x2048x9xf32, #tpu.memory_space<vmem>>, vector<1x256x9xf32>,
    %slice3A_449 = vector.extract_strided_slice %broadcast_in_dim3A_323 {offsets = [0, 1536], sizes = [1, 256], strides = [1, 1]} : vector<1x2048xi32> to vector<1x256xi32>
    %iota3A_450 = tpu.iota {dimensions = array<i32: 1>} : vector<256x256xi32>
    %and3A_451 = arith.constant -32 : i32
    %and3A_452 = vector.broadcast %and3A_451 : i32 to vector<256x256xi32>
    %and3A_453 = arith.andi %iota3A_450, %and3A_452 : vector<256x256xi32>
    %add3A_454 = vector.broadcast %slice3A_449 : vector<1x256xi32> to vector<256x256xi32>
    %add3A_455 = arith.addi %add3A_454, %and3A_453 : vector<256x256xi32>
    %iota3A_456 = tpu.iota {dimensions = array<i32: 0>} : vector<256x256xi32>
    %eq3A_457 = arith.cmpi eq, %add3A_455, %iota3A_456 : vector<256x256xi32>
    %convert_element_type3A_458 = arith.extui %eq3A_457 : vector<256x256xi1> to vector<256x256xi32>
    %convert_element_type3A_459 = arith.sitofp %convert_element_type3A_458 : vector<256x256xi32> to vector<256x256xf32>
    %slice3A_460 = vector.extract_strided_slice %reshape3A_330 {offsets = [1536, 0], sizes = [256, 9], strides = [1, 1]} : vector<2048x9xf32> to vector<256x9xf32>
    %dot_general3A_461 = arith.constant dense<0.000000e+00> : vector<256x9xf32>
    %dot_general3A_462 = tpu.matmul %convert_element_type3A_459, %slice3A_460, %dot_general3A_461 {dimension_numbers = #tpu.dot_dimension_numbers<[0], [0], [1], [1], [0, 1, 1, 1], [], []>, precision = #tpu.contract_precision<fp32>, transpose_lhs_hint = false} : vector<256x256xf32>, vector<256x9xf32>, vector<256x9xf32> -> vector<256x9xf32>
    %swap3A_463 = arith.constant 0 : index
    %swap3A_464 = arith.constant 1536 : index
    %swap3A_465 = arith.constant 0 : index
    %swap3A_466 = vector.load %arg4[%swap3A_463, %swap3A_464, %swap3A_465] : memref<1x2048x9xf32, #tpu.memory_space<vmem>>, vector<1x256x9xf32>
    %swap3A_467 = vector.shape_cast %swap3A_466 : vector<1x256x9xf32> to vector<256x9xf32>
    %swap3A_468 = vector.shape_cast %dot_general3A_462 : vector<256x9xf32> to vector<1x256x9xf32>
    tpu.vector_store %arg4[%swap3A_463, %swap3A_464, %swap3A_465], %swap3A_468 {strides = array<i32>} : memref<1x2048x9xf32, #tpu.memory_space<vmem>>, vector<1x256x9xf32>,
    %slice3A_469 = vector.extract_strided_slice %broadcast_in_dim3A_323 {offsets = [0, 1792], sizes = [1, 256], strides = [1, 1]} : vector<1x2048xi32> to vector<1x256xi32>
    %iota3A_470 = tpu.iota {dimensions = array<i32: 1>} : vector<256x256xi32>
    %and3A_471 = arith.constant -32 : i32
    %and3A_472 = vector.broadcast %and3A_471 : i32 to vector<256x256xi32>
    %and3A_473 = arith.andi %iota3A_470, %and3A_472 : vector<256x256xi32>
    %add3A_474 = vector.broadcast %slice3A_469 : vector<1x256xi32> to vector<256x256xi32>
    %add3A_475 = arith.addi %add3A_474, %and3A_473 : vector<256x256xi32>
    %iota3A_476 = tpu.iota {dimensions = array<i32: 0>} : vector<256x256xi32>
    %eq3A_477 = arith.cmpi eq, %add3A_475, %iota3A_476 : vector<256x256xi32>
    %convert_element_type3A_478 = arith.extui %eq3A_477 : vector<256x256xi1> to vector<256x256xi32>
    %convert_element_type3A_479 = arith.sitofp %convert_element_type3A_478 : vector<256x256xi32> to vector<256x256xf32>
    %slice3A_480 = vector.extract_strided_slice %reshape3A_330 {offsets = [1792, 0], sizes = [256, 9], strides = [1, 1]} : vector<2048x9xf32> to vector<256x9xf32>
    %dot_general3A_481 = arith.constant dense<0.000000e+00> : vector<256x9xf32>
    %dot_general3A_482 = tpu.matmul %convert_element_type3A_479, %slice3A_480, %dot_general3A_481 {dimension_numbers = #tpu.dot_dimension_numbers<[0], [0], [1], [1], [0, 1, 1, 1], [], []>, precision = #tpu.contract_precision<fp32>, transpose_lhs_hint = false} : vector<256x256xf32>, vector<256x9xf32>, vector<256x9xf32> -> vector<256x9xf32>
    %swap3A_483 = arith.constant 0 : index
    %swap3A_484 = arith.constant 1792 : index
    %swap3A_485 = arith.constant 0 : index
    %swap3A_486 = vector.load %arg4[%swap3A_483, %swap3A_484, %swap3A_485] : memref<1x2048x9xf32, #tpu.memory_space<vmem>>, vector<1x256x9xf32>
    %swap3A_487 = vector.shape_cast %swap3A_486 : vector<1x256x9xf32> to vector<256x9xf32>
    %swap3A_488 = vector.shape_cast %dot_general3A_482 : vector<256x9xf32> to vector<1x256x9xf32>
    tpu.vector_store %arg4[%swap3A_483, %swap3A_484, %swap3A_485], %swap3A_488 {strides = array<i32>} : memref<1x2048x9xf32, #tpu.memory_space<vmem>>, vector<1x256x9xf32>,
    return
  }
  func.func @transform_0(%arg0: i32, %arg1: i32) -> (i32, i32, i32, i32) {
    %c0_i32 = arith.constant 0 : i32
    %c0_i32_0 = arith.constant 0 : i32
    %c0_i32_1 = arith.constant 0 : i32
    return %arg0, %arg1, %c0_i32, %c0_i32_0 : i32, i32, i32, i32
  }
  func.func @transform_1(%arg0: i32, %arg1: i32) -> (i32, i32, i32, i32) {
    %c0_i32 = arith.constant 0 : i32
    %c0_i32_0 = arith.constant 0 : i32
    %c0_i32_1 = arith.constant 0 : i32
    return %arg0, %arg1, %c0_i32, %c0_i32_0 : i32, i32, i32, i32
  }
  func.func @transform_2(%arg0: i32, %arg1: i32) -> (i32, i32, i32) {
    %c0_i32 = arith.constant 0 : i32
    %c0_i32_0 = arith.constant 0 : i32
    return %arg0, %arg1, %c0_i32 : i32, i32, i32
  }
}

</mosaic_0001>

<sc_bundles>
// kernel: sparse-core-data-format-call.cloned.1.call-start
scs
called_computation_lowered:
.L_overlay_start_0:
0x0: {  	s2 =	sld [smem:$0x3FD9]  }
0x1: {  	s3 =	sld [smem:$0x3FFE];
	_ =	sdelay $0x1  }
0x2: {  	s1 =	srdreg.scid  }
0x3: {  	s0 =	sand.u32 $0x1, s1  }
0x4: {  	s15 =	sshll.u32 s0, $0xA;
	s2 =	sadd.s32 s3, s2  }
0x5: {  	s2 =	sadd.s32 s2, s15  }
0x6: {  	[smem:$0x3FC6] =	sst s2  }
0x7: {  	_ = 	snop  }
0x8: {  	s2 =	sld [smem:$0x3FD0];
	_ =	sdelay $0x2  }
0x9: {  	s16 =	simm.s32 $0xA;
	s4 =	simm.s32 $0x10  }
0xa: {  	[smem:s4], [sflag:s16] =	dma.local [hbm:s2], $0x1  }
0xb: {  	_ =	swait.eq [sflag:s16], $0x1  }
0xc: {  	[sflag:s16] =	ssyncset.done $0x0  }
0xd: {  	[sflag:s16] =	ssyncadd.s32 $0xFFFFFFFF  }
0xe: {  	s17 =	sld [smem:$0x11];
	(tm) =	ssettm $0x1  }
0xf: {  	s18 =	sld [smem:$0x3FFB];
	_ =	sdelay $0x3  }
0x10: {  	_ =	strace s18  }
0x11: {  	s3 =	sld [smem:$0x3FFC];
	_ =	sdelay $0x3  }
0x12: {  	_ =	strace s3  }
0x13: {  	s3 =	sld [smem:$0x3FFD];
	_ =	sdelay $0x3  }
0x14: {  	_ =	strace s3  }
0x15: {  	_ =	strace $0x8FFFFFFF  }
0x16: {  	s19 =	sld [smem:$0x3FDB];
	_ =	sdelay $0x1  }
0x17: {  	s20 =	simm.s32 $_scs_section_size  }
0x18: {  	s5 =	simm.s32 $_size__tile_overlayer_lowered;
	s6 =	simm.s32 $_tile_overlayer_lowered  }
0x19: {  	s23 =	simm.s32 $0x1BFF;
	s22 =	sshll.u32 s6, $0x1;
	s3 =	sadd.s32 s20, s19  }
0x1a: {  	s7 =	simm.s32 $0x0;
	s21 =	sshll.u32 s5, $0x1;
	s5 =	sadd.s32 s22, s3  }
0x1b: {  	[timem:s7], [sflag:s23] =	dma.local [hbm:s5], s21  }
0x1c: {  	_ =	swait.ge [sflag:s23], s21  }
0x1d: {  	s4 =	ssub.s32 $0x0, s21;
	[sflag:s23] =	ssyncset.done $0x0  }
0x1e: {  	[sflag:s23] =	ssyncadd.s32 s4;
	_ =	sdelay $0x1  }
0x1f: {  	s24 =	simm.s32 $0x1B8B  }
0x20: {  	_ =	swait.ge [sflag:s24], $0x1  }
0x21: {  	[sflag:s24] =	ssyncset.done $0x0  }
0x22: {  	s26 =	simm.s32 $0x1B8E;
	s25 =	sld [smem:$0x3FFE];
	[sflag:s24] =	ssyncadd.s32 $0xFFFFFFFF  }
0x23: {  	s27 =	simm.s32 $execute0_lowered;
	[smem:$0x3FD2] =	sst s26  }
0x24: {  	s5 =	sshll.u32 s27, $0x1;
	_ =	strace $0x80000046;
	[dreg:$0x1] =	wrdreg $0xFFFFFFFF  }
0x25: {  	s28 =	simm.s32 $_size_execute0_lowered;
	s3 =	sadd.s32 s3, s5;
	[dreg:$0x0] =	wrdreg $0x0  }
0x26: {  	s5 =	sshll.u32 s28, $0x1;
	[dreg:$0x2] =	wrdreg s3  }
0x27: {  	[dreg:$0x3] =	wrdreg s5  }
0x28: {  	[dreg:$0x4] =	wrdreg $0xC0  }
0x29: {  	_ =	task [dreg:s7], $0x5FFFF  }
0x2a: {  	[dreg:$0x1] =	wrdreg $0xFFFFFFFF  }
0x2b: {  	[dreg:$0x0] =	wrdreg $0x60  }
0x2c: {  	[dreg:$0x2] =	wrdreg s25  }
0x2d: {  	[dreg:$0x3] =	wrdreg s17  }
0x2e: {  	[dreg:$0x4] =	wrdreg $0x9  }
0x2f: {  	_ =	task.clear_ibuf [dreg:s7], $0x5FFFF;
	_ =	strace $0x90000046  }
0x30: {  	s29 =	simm.s32 $0x9;
	_ =	strace $0x80000048  }
0x31: {  	_ =	swait.ge [sflag:s29], $0x1  }
0x32: {  	[sflag:s29] =	ssyncadd.s32 $0xFFFFFFFF  }
0x33: {  	_ =	strace $0x90000048  }
0x34: {  	_ =	sfence  }
0x35: {  	s30 =	sld [smem:$0x0];
	_ =	sdelay $0x2  }
0x36: {  	s31 =	sshll.u32 s1, $0xD;
	s1 =	sshrl.u32 s1, $0x2  }
0x37: {  	s3 =	sand.u32 $0x4000, s31;
	s1 =	sadd.s32 s1, s30  }
0x38: {  	s0 =	sor.u32 s3, s0;
	s1 =	sshll.u32 s1, $0x11  }
0x39: {  	s0 =	sor.u32 s1, s0  }
0x3a: {  	s0 =	sadd.s32 $0x8F2B, s0  }
0x3b: {  	[sflag:s0] =	ssyncadd.remote.s32 $0x1  }
0x3c: {  	_ =	sfence.sel $0xFFFF  }
0x3d: {  	[dreg:$0x0] =	wrdreg $0xFFFFFFFF;
	(pc) =	sbr.abs _section_cstart, $3  }
0x3e: {  	[dreg:$0x1] =	wrdreg $0xFFFFFFFF  }
0x3f: {  	_ =	task.clear_ibuf [dreg:s7], $0x2FFFF;
	_ =	strace $0x9FFFFFFF  }
0x40: {  	(tm) =	ssettm $0x7FFFFFFF  }
0x41: {  	_ =	shalt  }
tec
execute0_lowered:
.L_overlay_start_1:
0x0: {  	(tag) =	ssettag $0x1  }
0x1: {  	s0 =	stileid.u32  }
0x2: {  	s1 =	srdreg.scid;
	s6 =	rddreg [dreg:$0x0];
	s4 =	simm.s32 $0x1  }
0x3: {  	s8 =	simm.s32 $0x2;
	s2 =	sshll.u32 s0, $0x5;
	s1 =	sshll.u32 s1, $0x9  }
0x4: {  	s15 =	simm.s32 $0x0;
	s9 =	simm.s32 $0x10000;
	s1 =	sor.u32 s2, s1  }
0x5: {  	s16 =	simm.s32 $0x0;
	s17 =	simm.s32 $0x0;
	s2 =	sand.u32 $0x380, s1  }
0x6: {  	s18 =	simm.s32 $0x0;
	s12 =	simm.s32 $0x0;
	s1 =	ssub.s32 $0x2000, s2  }
0x7: {  	s13 =	simm.s32 $0x0;
	s14 =	simm.s32 $0x0;
	s3 =	sand.u32 $0x380, s1  }
0x8: {  	s6 =	sadd.s32 $0x900800, s6;
	s5 =	sshrl.u32 s1, $0xA;
	p0 =	sne.s32 s3, $0x0  }
.Ltmp0:
0x9: {  	s1 =	rddreg [dreg:$0x2];
	s4 =	simm.s32 @!p0 $0x0;
	(pc) =	sbr.rel .LBB1_1-.Ltmp0, $4  }
0xa: {  	s7 =	sand.u32 $0x3, s0;
	s3 =	rddreg [dreg:$0x1];
	s5 =	sadd.s32 s4, s5  }
0xb: {  	_ =	strace $0x80000047;
	s4 =	simm.s32 $0x1;
	s5 =	smul.u32 $0x9, s5  }
0xc: {  	s11 =	smov.u32 s7;
	s10 =	smov.u32 s2;
	[sflag:s4] =	ssyncpa.u1 $0x0  }
0xd: {  	p0 =	por $0x0, $0x0;
	[sflag:s8] =	ssyncpa.u1 $0x0;
	s8 =	sadd.s32 $0x1, s5  }
.LBB1_4:
0xe: {  	s18 =	smul.u32 $0x30000, s18  }
0xf: {  	s21 =	sshll.u32 s15, $0x3;
	s22 =	sand.u32 $0x78, s15  }
0x10: {  	s16 =	smul.u32 $0x90000, s16;
	s17 =	sshll.u32 s17, $0x10;
	s18 =	sadd.s32 s3, s18  }
0x11: {  	s29 =	sand.u32 $0xFC00, s15;
	s21 =	sand.u32 $0x1C00, s21;
	s17 =	sadd.s32 s17, s18  }
0x12: {  	[tilespmem:s20+$0x810 ss:$0x81] =	vst.msk $0xffff, v2;
	s30 =	sand.u32 $0x7, s15;
	s21 =	sor.u32 s22, s21;
	s16 =	sadd.s32 s16, s17  }
0x13: {  	[tilespmem:s20+$0x1020 ss:$0x81] =	vst.msk $0xffff, v0;
	s15 =	sshll.u32 s30, $0x12;
	s31 =	sshrl.u32 s21, $0x3;
	s16 =	sadd.s32 s29, s16  }
0x14: {  	[tilespmem:s20+$0x0 ss:$0x81] =	vst.msk $0xffff, v1;
	s15 =	sor.u32 $0x400, s15;
	s16 =	sadd.s32 s31, s16  }
0x15: {  	[hbm4b:s16+s15] =	stream.strided.scatter [tilespmem:s19], [sflag:$0x2], $0x2000, s9, s15, $0x20;
	[tilespmem:$0x8080] =	vst v63  }
.LBB1_5:
0x16: {  	s19 =	sadd.s32 $0x400, s10  }
0x17: {  	s15 =	sadd.s32 $0x4, s11;
	s20 =	smov.u32 s11;
	p2 =	sgt.s32 s19, $0x1FFF  }
0x18: {  	s20 =	smov.u32 @p2 s15  }
0x19: {  	s15 =	simm.s32 $0x1;
	p3 =	sgt.s32 s20, $0x3  }
0x1a: {  	s15 =	simm.s32 @!p3 $0x0  }
0x1b: {  	s21 =	sadd.s32 s15, s12  }
0x1c: {  	s15 =	simm.s32 $0x1;
	p4 =	sgt.s32 s21, $0x2  }
0x1d: {  	s15 =	simm.s32 @!p4 $0x0  }
0x1e: {  	p1 =	slt.u32 s14, $0x2;
	s23 =	sadd.s32 s15, s13  }
0x1f: {  	s16 =	smov.u32 s11;
	s19 =	smov.u32 @p2 s2;
	p2 =	sgt.s32 s23, $0x2  }
0x20: {  	s22 =	simm.s32 @!p1 $0x2;
	s23 =	simm.s32 @p2 $0x0;
	p2 =	sne.s32 s14, s8  }
.Ltmp1:
0x21: {  	s17 =	smov.u32 s12;
	_ =	swait.ge @!p1 [sflag:s22], $0x2000;
	(pc) =	sbr.rel @!p2 .LBB1_6-.Ltmp1, $4  }
0x22: {  	s18 =	smov.u32 s13;
	[sflag:s22] =	ssyncset.done @!p1 $0x0;
	s20 =	smov.u32 @p3 s7  }
0x23: {  	p0 =	por !p0, !p0;
	[sflag:s22] =	ssyncadd.s32 @!p1 $0xFFFFE000;
	s11 =	smov.u32 s20  }
0x24: {  	s21 =	simm.s32 @p4 $0x0;
	s15 =	smov.u32 s10;
	s10 =	smov.u32 s19  }
0x25: {  	s12 =	smov.u32 s21;
	s14 =	sadd.s32 $0x1, s14;
	s13 =	smov.u32 s23  }
.LBB1_1:
0x26: {  	p1 =	sge.u32 s14, s5  }
0x27: {  	s19 =	smul.u32 @!p1 $0x180000, s13  }
0x28: {  	s31 =	sadd.s32 $0xFFFFFFFF, s14;
	s20 =	sxor.u32 @!p1 $0xFFFFFFFF, s14  }
0x29: {  	s21 =	sshll.u32 @!p1 s12, $0x13;
	s22 =	sshll.u32 @!p1 s11, $0x11;
	s19 =	sadd.s32 @!p1 s6, s19  }
0x2a: {  	s23 =	sshll.u32 @!p1 s10, $0x4;
	s20 =	sshll.u32 @!p1 s20, $0xD;
	s19 =	sadd.s32 @!p1 s21, s19  }
0x2b: {  	s20 =	sand.u32 @!p1 $0x2000, s20;
	s21 =	sand.u32 @!p1 $0x1FFF0, s23;
	s19 =	sadd.s32 @!p1 s22, s19  }
0x2c: {  	s22 =	simm.s32 @!p1 $0x80;
	s19 =	sadd.s32 @!p1 s21, s19;
	s21 =	simm.s32 @!p1 $0x40  }
0x2d: {  	[tilespmem:s20], [sflag:$0x1] =	stream.strided.gather @!p1 [hbm4b:s19+s21], $0x2000, s22, s21, $0x38;
	[tilespmem:$0x8080] =	vst v63  }
0x2e: {  	p1 =	sge.u32 s31, s5  }
.Ltmp2:
0x2f: {  	_ = 	snop;
	(pc) =	sbr.rel @p1 .LBB1_5-.Ltmp2, $1  }
0x30: {  	_ =	sdelay $0x3  }
0x31: {  	s19 =	simm.s32 $0x1  }
0x32: {  	_ =	swait.ge [sflag:s4], $0x2000;
	s19 =	simm.s32 @!p0 $0x0  }
0x33: {  	[sflag:s4] =	ssyncset.done $0x0;
	s20 =	sshll.u32 s19, $0xD  }
0x34: {  	[sflag:s4] =	ssyncadd.s32 $0xFFFFE000;
	s23 =	sor.u32 $0x20, s20  }
0x35: {  	s19 =	smul.u32 $0x8100, s19;
	v3 =	vld [tilespmem:s23+$0x10]  }
0x36: {  	s30 =	sand.u32 $0x1, s14;
	v2 =	vld [tilespmem:s23+$0xFFFFFFF0]  }
0x37: {  	s20 =	smul.u32 $0x8100, s30;
	s19 =	sshrl.u32 s19, $0x2;
	v0 =	vld [tilespmem:s23+$0x0]  }
0x38: {  	v1 =	vld [tilespmem:s23+$0xFFFFFFE0];
	s21 =	sor.u32 $0x4000, s19  }
0x39: {  	s31 =	sshrl.u32 s20, $0x2;
	s20 =	sadd.s32 $0x0, s21  }
0x3a: {  	s22 =	simm.s32 $0x4;
	s23 =	sadd.s32 $0x40, s23;
	s19 =	sor.u32 $0x4000, s31;
	[tilespmem:s20+$0x1830 ss:$0x81] =	vst.msk $0xffff, v3  }
.LBB1_3:
0x3b: {  	v3 =	vld [tilespmem:s23+$0x10];
	p1 =	sne.s32 s22, $0x1FC;
	[tilespmem:s20+$0x810 ss:$0x81] =	vst.msk $0xffff, v2;
	s24 =	smov.u32 s22;
	s22 =	sadd.s32 $0x4, s22  }
.Ltmp3:
0x3c: {  	v2 =	vld [tilespmem:s23+$0xFFFFFFF0];
	[tilespmem:s20+$0x1020 ss:$0x81] =	vst.msk $0xffff, v0;
	(pc) =	sbr.rel @p1 .LBB1_3-.Ltmp3, $4  }
0x3d: {  	v0 =	vld [tilespmem:s23+$0x0];
	[tilespmem:s20+$0x0 ss:$0x81] =	vst.msk $0xffff, v1  }
0x3e: {  	s20 =	sshra.s32 s24, $0x2;
	v1 =	vld [tilespmem:s23+$0xFFFFFFE0]  }
0x3f: {  	s20 =	sadd.s32 s20, s21  }
0x40: {  	s23 =	sadd.s32 $0x40, s23;
	[tilespmem:s20+$0x1830 ss:$0x81] =	vst.msk $0xffff, v3  }
.Ltmp4:
0x41: {  	_ = 	snop;
	(pc) =	sbr.rel .LBB1_4-.Ltmp4, $1  }
0x42: {  	_ =	sdelay $0x3  }
.LBB1_6:
0x43: {  	_ =	sfence.sel $0x180000  }
0x44: {  	s2 =	simm.s32 $0x1;
	[bflag:$0x0] =	sbarrier.arrive $0xFFFF  }
0x45: {  	s31 =	simm.s32 $0x2;
	[sflag:s2] =	ssyncpa.u1 $0x1  }
0x46: {  	[sflag:s31] =	ssyncpa.u1 $0x1  }
0x47: {  	p0 =	sne.s32 s0, $0x0;
	_ =	strace $0x90000047  }
0x48: {  	s0 =	sadd.s32 @!p0 $0x100000, s1;
	[bflag:$0x2] =	sbarrier.arrive $0xFFFF  }
0x49: {  	[sflag:s0] =	ssyncadd.tile.s32 @!p0 $0x1;
	_ =	shalt  }
.Lfunc_end1:
_tile_overlayer_lowered:
.L_overlay_start_2:
0x4a: {  	(tag) =	ssettag $0x2  }
0x4b: {  	s0 =	rddreg [dreg:$0x0];
	s2 =	stileid.u32  }
0x4c: {  	s1 =	rddreg [dreg:$0x1];
	p0 =	sne.s32 s2, $0x0  }
0x4d: {  	s3 =	rddreg [dreg:$0x2];
	[bflag:$0x3] =	sbarrier.arrive $0xFFFF;
	s2 =	simm.s32 @!p0 $0x1C01  }
0x4e: {  	[timem:s3], [sflag:s2] =	dma.local @!p0 [hbm:s0], s1  }
0x4f: {  	s0 =	simm.s32 @!p0 $0x1  }
0x50: {  	_ =	swait.ge @!p0 [sflag:s0], s1  }
0x51: {  	s1 =	ssub.s32 @!p0 $0x0, s1;
	[sflag:s0] =	ssyncset.done @!p0 $0x0  }
0x52: {  	[sflag:s0] =	ssyncadd.s32 @!p0 s1  }
0x53: {  	[bflag:$0x3] =	sbarrier.arrive $0xFFFF  }
0x54: {  	_ =	shalt  }

</sc_bundles>
